<compile_context>
chip_gen: v7x
topology: tpu7x:2x2x1
jax: 0.10.2.dev20260603
libtpu: 0.0.44.dev20260713+nightly
codegen_flags: <defaults>
</compile_context>

<pallas_src>
import functools

import jax
import jax.numpy as jnp
import numpy as np
from jax.experimental import pallas as pl

_NUM_CLASSES = 13


def _sqdist(src, dst):
    return (jnp.sum(src ** 2, -1)[:, :, None]
            + jnp.sum(dst ** 2, -1)[:, None, :]
            - 2.0 * jnp.einsum('bnc,bmc->bnm', src, dst))


def _index_points(points, idx):
    return jax.vmap(lambda p, i: p[i])(points, idx)


def _fps(xyz, npoint):
    def single(pts):
        N = pts.shape[0]
        def body(i, carry):
            centroids, distance, farthest = carry
            centroids = centroids.at[i].set(farthest)
            centroid = pts[farthest]
            dist = jnp.sum((pts - centroid) ** 2, axis=-1)
            distance = jnp.minimum(distance, dist)
            farthest = jnp.argmax(distance).astype(jnp.int32)
            return (centroids, distance, farthest)
        init = (jnp.zeros(npoint, jnp.int32), jnp.full((N,), 1e10, jnp.float32), jnp.array(0, jnp.int32))
        c, _, _ = jax.lax.fori_loop(0, npoint, body, init)
        return c
    return jax.vmap(single)(xyz)


def _query_ball(radius, nsample, xyz, new_xyz):
    B, S, _ = new_xyz.shape
    N = xyz.shape[1]
    sqr = _sqdist(new_xyz, xyz)
    group_idx = jnp.broadcast_to(jnp.arange(N, dtype=jnp.int32), (B, S, N))
    group_idx = jnp.where(sqr > radius ** 2, N, group_idx)
    group_idx = jnp.sort(group_idx, axis=-1)[:, :, :nsample]
    group_first = group_idx[:, :, :1]
    group_idx = jnp.where(group_idx == N, group_first, group_idx)
    return group_idx


def _bn(x, g, b, axes):
    mean = jnp.mean(x, axes, keepdims=True)
    var = jnp.var(x, axes, keepdims=True)
    shape = [1] * x.ndim
    shape[1] = -1
    return (x - mean) / jnp.sqrt(var + 1e-5) * g.reshape(shape) + b.reshape(shape)


def _cbr2(x, p):
    y = jnp.einsum('oi,biks->boks', p['W'], x) + p['b'][None, :, None, None]
    return jax.nn.relu(_bn(y, p['g'], p['be'], (0, 2, 3)))


def _cbr1(x, p):
    y = jnp.einsum('oi,bin->bon', p['W'], x) + p['b'][None, :, None]
    return jax.nn.relu(_bn(y, p['g'], p['be'], (0, 2)))


def _set_abstraction(xyz, points, npoint, radius, nsample, layers):
    xyz_t = jnp.transpose(xyz, (0, 2, 1))
    fps_idx = _fps(jax.lax.stop_gradient(xyz_t), npoint)
    new_xyz = _index_points(xyz_t, fps_idx)
    idx = _query_ball(radius, nsample, xyz_t, new_xyz)
    grouped_xyz = _index_points(xyz_t, idx)
    grouped_xyz_norm = grouped_xyz - new_xyz[:, :, None, :]
    if points is not None:
        pts_t = jnp.transpose(points, (0, 2, 1))
        grouped_points = _index_points(pts_t, idx)
        new_points = jnp.concatenate([grouped_xyz_norm, grouped_points], axis=-1)
    else:
        new_points = grouped_xyz_norm
    new_points = jnp.transpose(new_points, (0, 3, 2, 1))
    for p in layers:
        new_points = _cbr2(new_points, p)
    new_points = jnp.max(new_points, axis=2)
    return jnp.transpose(new_xyz, (0, 2, 1)), new_points


def _feature_propagation(xyz1, xyz2, points1, points2, layers):
    xyz1_t = jnp.transpose(xyz1, (0, 2, 1))
    xyz2_t = jnp.transpose(xyz2, (0, 2, 1))
    pts2_t = jnp.transpose(points2, (0, 2, 1))
    dists = _sqdist(xyz1_t, xyz2_t)
    neg_d, idx = jax.lax.top_k(-dists, 3)
    d3 = -neg_d
    dist_recip = 1.0 / (d3 + 1e-8)
    norm = jnp.sum(dist_recip, axis=-1, keepdims=True)
    weight = dist_recip / norm
    interpolated = jnp.sum(_index_points(pts2_t, idx) * weight[..., None], axis=2)
    if points1 is not None:
        pts1_t = jnp.transpose(points1, (0, 2, 1))
        new_points = jnp.concatenate([pts1_t, interpolated], axis=-1)
    else:
        new_points = interpolated
    new_points = jnp.transpose(new_points, (0, 2, 1))
    for p in layers:
        new_points = _cbr1(new_points, p)
    return new_points



def _proj_kernel(w_ref, b_ref, x_ref, o_ref):
    o_ref[0] = (jnp.dot(w_ref[...], x_ref[0],
                        preferred_element_type=jnp.float32)
                + b_ref[...][:, 0][:, None])


def _pallas_proj(x, W, b):
    B, Cin, N = x.shape
    Cout = W.shape[0]
    out = pl.pallas_call(
        _proj_kernel,
        grid=(B,),
        in_specs=[
            pl.BlockSpec((Cout, Cin), lambda i: (0, 0)),
            pl.BlockSpec((Cout, 1), lambda i: (0, 0)),
            pl.BlockSpec((1, Cin, N), lambda i: (i, 0, 0)),
        ],
        out_specs=pl.BlockSpec((1, Cout, N), lambda i: (i, 0, 0)),
        out_shape=jax.ShapeDtypeStruct((B, Cout, N), jnp.float32),
    )(W, b[:, None], x)
    return out


def _asis_head(f_sem, f_ins, params, k=30):
    adapted = _cbr1(f_sem, params['asis_adapt'])
    f_sins = f_ins + adapted
    e_ins = _pallas_proj(f_sins, params['asis_ins']['W'], params['asis_ins']['b'])
    emb = jax.lax.stop_gradient(jnp.transpose(e_ins, (0, 2, 1)))
    d = _sqdist(emb, emb)
    _, nn_idx = jax.lax.top_k(-d, k)
    f_sem_t = jnp.transpose(f_sem, (0, 2, 1))
    neigh = _index_points(f_sem_t, nn_idx)
    f_isem = jnp.transpose(jnp.max(neigh, axis=2), (0, 2, 1))
    p_sem = _pallas_proj(f_isem, params['asis_sem']['W'], params['asis_sem']['b'])
    return p_sem, e_ins


@jax.jit
def kernel(x, params):
    l0_points = x[:, 3:, :]
    l0_xyz = x[:, :3, :]
    l1_xyz, l1_points = _set_abstraction(l0_xyz, l0_points, 1024, 0.1, 32, params['sa1'])
    l2_xyz, l2_points = _set_abstraction(l1_xyz, l1_points, 256, 0.2, 32, params['sa2'])
    l3_xyz, l3_points = _set_abstraction(l2_xyz, l2_points, 64, 0.4, 32, params['sa3'])
    l4_xyz, l4_points = _set_abstraction(l3_xyz, l3_points, 16, 0.8, 32, params['sa4'])
    l3_sem = _feature_propagation(l3_xyz, l4_xyz, l3_points, l4_points, params['fp_sem4'])
    l2_sem = _feature_propagation(l2_xyz, l3_xyz, l2_points, l3_sem, params['fp_sem3'])
    l1_sem = _feature_propagation(l1_xyz, l2_xyz, l1_points, l2_sem, params['fp_sem2'])
    l0_sem = _feature_propagation(l0_xyz, l1_xyz, l0_points, l1_sem, params['fp_sem1'])
    l3_ins = _feature_propagation(l3_xyz, l4_xyz, l3_points, l4_points, params['fp_ins4'])
    l2_ins = _feature_propagation(l2_xyz, l3_xyz, l2_points, l3_ins, params['fp_ins3'])
    l1_ins = _feature_propagation(l1_xyz, l2_xyz, l1_points, l2_ins, params['fp_ins2'])
    l0_ins = _feature_propagation(l0_xyz, l1_xyz, l0_points, l1_ins, params['fp_ins1'])
    f_sem = _cbr1(l0_sem, params['sem_fc'])
    f_ins = _cbr1(l0_ins, params['ins_fc'])
    return _asis_head(f_sem, f_ins, params, 30)

# --- scband reference (transcript-rebuilt; emitter-appended) ---
"""Pipeline reference for scband-point-net2-asis-86500641341583 (READ-ONLY COPY).

The authoritative reference and input builder live on the scoring server;
editing this copy changes nothing except your own understanding.
"""

import jax, jax.numpy as jnp
import numpy as np

NUM_CLASSES = 13


def square_distance(src, dst):
    return (jnp.sum(src ** 2, -1)[:, :, None]
            + jnp.sum(dst ** 2, -1)[:, None, :]
            - 2.0 * jnp.einsum('bnc,bmc->bnm', src, dst))


def index_points(points, idx):
    return jax.vmap(lambda p, i: p[i])(points, idx)


def farthest_point_sample(xyz, npoint):
    def single(pts):
        N = pts.shape[0]
        def body(i, carry):
            centroids, distance, farthest = carry
            centroids = centroids.at[i].set(farthest)
            centroid = pts[farthest]
            dist = jnp.sum((pts - centroid) ** 2, axis=-1)
            distance = jnp.minimum(distance, dist)
            farthest = jnp.argmax(distance).astype(jnp.int32)
            return (centroids, distance, farthest)
        init = (jnp.zeros(npoint, jnp.int32), jnp.full((N,), 1e10, jnp.float32), jnp.array(0, jnp.int32))
        c, _, _ = jax.lax.fori_loop(0, npoint, body, init)
        return c
    return jax.vmap(single)(xyz)


def query_ball_point(radius, nsample, xyz, new_xyz):
    B, S, _ = new_xyz.shape
    N = xyz.shape[1]
    sqr = square_distance(new_xyz, xyz)
    group_idx = jnp.broadcast_to(jnp.arange(N, dtype=jnp.int32), (B, S, N))
    group_idx = jnp.where(sqr > radius ** 2, N, group_idx)
    group_idx = jnp.sort(group_idx, axis=-1)[:, :, :nsample]
    group_first = group_idx[:, :, :1]
    group_idx = jnp.where(group_idx == N, group_first, group_idx)
    return group_idx


def bn(x, g, b, axes):
    mean = jnp.mean(x, axes, keepdims=True)
    var = jnp.var(x, axes, keepdims=True)
    shape = [1] * x.ndim
    shape[1] = -1
    return (x - mean) / jnp.sqrt(var + 1e-5) * g.reshape(shape) + b.reshape(shape)


def conv_bn_relu_2d(x, p):
    y = jnp.einsum('oi,biks->boks', p['W'], x) + p['b'][None, :, None, None]
    return jax.nn.relu(bn(y, p['g'], p['be'], (0, 2, 3)))


def conv_bn_relu_1d(x, p):
    y = jnp.einsum('oi,bin->bon', p['W'], x) + p['b'][None, :, None]
    return jax.nn.relu(bn(y, p['g'], p['be'], (0, 2)))


def set_abstraction(xyz, points, npoint, radius, nsample, layers):
    xyz_t = jnp.transpose(xyz, (0, 2, 1))
    fps_idx = farthest_point_sample(jax.lax.stop_gradient(xyz_t), npoint)
    new_xyz = index_points(xyz_t, fps_idx)
    idx = query_ball_point(radius, nsample, xyz_t, new_xyz)
    grouped_xyz = index_points(xyz_t, idx)
    grouped_xyz_norm = grouped_xyz - new_xyz[:, :, None, :]
    if points is not None:
        pts_t = jnp.transpose(points, (0, 2, 1))
        grouped_points = index_points(pts_t, idx)
        new_points = jnp.concatenate([grouped_xyz_norm, grouped_points], axis=-1)
    else:
        new_points = grouped_xyz_norm
    new_points = jnp.transpose(new_points, (0, 3, 2, 1))
    for p in layers:
        new_points = conv_bn_relu_2d(new_points, p)
    new_points = jnp.max(new_points, axis=2)
    return jnp.transpose(new_xyz, (0, 2, 1)), new_points


def feature_propagation(xyz1, xyz2, points1, points2, layers):
    xyz1_t = jnp.transpose(xyz1, (0, 2, 1))
    xyz2_t = jnp.transpose(xyz2, (0, 2, 1))
    pts2_t = jnp.transpose(points2, (0, 2, 1))
    dists = square_distance(xyz1_t, xyz2_t)
    neg_d, idx = jax.lax.top_k(-dists, 3)
    d3 = -neg_d
    dist_recip = 1.0 / (d3 + 1e-8)
    norm = jnp.sum(dist_recip, axis=-1, keepdims=True)
    weight = dist_recip / norm
    interpolated = jnp.sum(index_points(pts2_t, idx) * weight[..., None], axis=2)
    if points1 is not None:
        pts1_t = jnp.transpose(points1, (0, 2, 1))
        new_points = jnp.concatenate([pts1_t, interpolated], axis=-1)
    else:
        new_points = interpolated
    new_points = jnp.transpose(new_points, (0, 2, 1))
    for p in layers:
        new_points = conv_bn_relu_1d(new_points, p)
    return new_points


def asis_head(f_sem, f_ins, params, k=30):
    adapted = conv_bn_relu_1d(f_sem, params['asis_adapt'])
    f_sins = f_ins + adapted
    e_ins = jnp.einsum('oi,bin->bon', params['asis_ins']['W'], f_sins) + params['asis_ins']['b'][None, :, None]
    emb = jax.lax.stop_gradient(jnp.transpose(e_ins, (0, 2, 1)))
    d = square_distance(emb, emb)
    _, nn_idx = jax.lax.top_k(-d, k)
    f_sem_t = jnp.transpose(f_sem, (0, 2, 1))
    neigh = index_points(f_sem_t, nn_idx)
    f_isem = jnp.transpose(jnp.max(neigh, axis=2), (0, 2, 1))
    p_sem = jnp.einsum('oi,bin->bon', params['asis_sem']['W'], f_isem) + params['asis_sem']['b'][None, :, None]
    return p_sem, e_ins


def forward(x, params):
    l0_points = x[:, 3:, :]
    l0_xyz = x[:, :3, :]
    l1_xyz, l1_points = set_abstraction(l0_xyz, l0_points, 1024, 0.1, 32, params['sa1'])
    l2_xyz, l2_points = set_abstraction(l1_xyz, l1_points, 256, 0.2, 32, params['sa2'])
    l3_xyz, l3_points = set_abstraction(l2_xyz, l2_points, 64, 0.4, 32, params['sa3'])
    l4_xyz, l4_points = set_abstraction(l3_xyz, l3_points, 16, 0.8, 32, params['sa4'])
    l3_sem = feature_propagation(l3_xyz, l4_xyz, l3_points, l4_points, params['fp_sem4'])
    l2_sem = feature_propagation(l2_xyz, l3_xyz, l2_points, l3_sem, params['fp_sem3'])
    l1_sem = feature_propagation(l1_xyz, l2_xyz, l1_points, l2_sem, params['fp_sem2'])
    l0_sem = feature_propagation(l0_xyz, l1_xyz, l0_points, l1_sem, params['fp_sem1'])
    l3_ins = feature_propagation(l3_xyz, l4_xyz, l3_points, l4_points, params['fp_ins4'])
    l2_ins = feature_propagation(l2_xyz, l3_xyz, l2_points, l3_ins, params['fp_ins3'])
    l1_ins = feature_propagation(l1_xyz, l2_xyz, l1_points, l2_ins, params['fp_ins2'])
    l0_ins = feature_propagation(l0_xyz, l1_xyz, l0_points, l1_ins, params['fp_ins1'])
    f_sem = conv_bn_relu_1d(l0_sem, params['sem_fc'])
    f_ins = conv_bn_relu_1d(l0_ins, params['ins_fc'])
    return asis_head(f_sem, f_ins, params, 30)


def _make_cb(key, cin, cout):
    return {'W': jax.random.normal(key, (cout, cin), jnp.float32) / np.sqrt(cin),
            'b': jnp.zeros((cout,), jnp.float32),
            'g': jnp.ones((cout,), jnp.float32),
            'be': jnp.zeros((cout,), jnp.float32)}


def _make_mlp(key, cin, chans):
    out = []
    for i, c in enumerate(chans):
        out.append(_make_cb(jax.random.fold_in(key, i), cin, c))
        cin = c
    return out


def setup_inputs(seed: int = 0):
    key = jax.random.key(seed)
    B, C, N = 4, 9, 4096
    x = jax.random.uniform(jax.random.fold_in(key, 100), (B, C, N), jnp.float32)
    kp = jax.random.fold_in(key, 1)
    params = {
        'sa1': _make_mlp(jax.random.fold_in(kp, 0), 9, [32, 32, 64]),
        'sa2': _make_mlp(jax.random.fold_in(kp, 1), 67, [64, 64, 128]),
        'sa3': _make_mlp(jax.random.fold_in(kp, 2), 131, [128, 128, 256]),
        'sa4': _make_mlp(jax.random.fold_in(kp, 3), 259, [256, 256, 512]),
        'fp_sem4': _make_mlp(jax.random.fold_in(kp, 4), 768, [256, 256]),
        'fp_sem3': _make_mlp(jax.random.fold_in(kp, 5), 384, [256, 256]),
        'fp_sem2': _make_mlp(jax.random.fold_in(kp, 6), 320, [256, 128]),
        'fp_sem1': _make_mlp(jax.random.fold_in(kp, 7), 134, [128, 128, 128]),
        'fp_ins4': _make_mlp(jax.random.fold_in(kp, 8), 768, [256, 256]),
        'fp_ins3': _make_mlp(jax.random.fold_in(kp, 9), 384, [256, 256]),
        'fp_ins2': _make_mlp(jax.random.fold_in(kp, 10), 320, [256, 128]),
        'fp_ins1': _make_mlp(jax.random.fold_in(kp, 11), 134, [128, 128, 128]),
        'sem_fc': _make_cb(jax.random.fold_in(kp, 12), 128, 128),
        'ins_fc': _make_cb(jax.random.fold_in(kp, 13), 128, 128),
        'asis_adapt': _make_cb(jax.random.fold_in(kp, 14), 128, 128),
        'asis_sem': {'W': jax.random.normal(jax.random.fold_in(kp, 15), (NUM_CLASSES, 128), jnp.float32) / np.sqrt(128.0), 'b': jnp.zeros((NUM_CLASSES,), jnp.float32)},
        'asis_ins': {'W': jax.random.normal(jax.random.fold_in(kp, 16), (5, 128), jnp.float32) / np.sqrt(128.0), 'b': jnp.zeros((5,), jnp.float32)},
    }
    return {'x': x, 'params': params}


def reference(x, params):
    return forward(x, params)

if __name__ == "__main__":
    import jax
    _d = setup_inputs()
    print(jax.jit(kernel)(*tuple(_d.values())))

</pallas_src>

<mosaic_0001>
module attributes {stable_mosaic.version = 14 : i64} {
  func.func @_proj_kernel(%arg0: i32, %arg1: memref<5x128xf32, #tpu.memory_space<vmem>>, %arg2: memref<5x1xf32, #tpu.memory_space<vmem>>, %arg3: memref<1x128x4096xf32, #tpu.memory_space<vmem>>, %arg4: memref<1x5x4096xf32, #tpu.memory_space<vmem>>) attributes {dimension_semantics = [#tpu.dimension_semantics<arbitrary>], iteration_bounds = array<i64: 4>, scalar_prefetch = 0 : i64, scratch_operands = 0 : i64, tpu.core_type = #tpu.core_type<tc>, window_params = [{pipeline_mode = #tpu.pipeline_mode<synchronous>, transform_indices = @transform_0, window_bounds = array<i64: 5, 128>}, {pipeline_mode = #tpu.pipeline_mode<synchronous>, transform_indices = @transform_1, window_bounds = array<i64: 5, 1>}, {transform_indices = @transform_2, window_bounds = array<i64: 1, 128, 4096>}, {transform_indices = @transform_3, window_bounds = array<i64: 1, 5, 4096>}]} {
    %get3A = arith.constant 0 : index
    %get3A_0 = arith.constant 0 : index
    %get3A_1 = vector.load %arg1[%get3A, %get3A_0] : memref<5x128xf32, #tpu.memory_space<vmem>>, vector<5x128xf32>
    %get3A_2 = arith.constant 0 : index
    %get3A_3 = arith.constant 0 : index
    %get3A_4 = arith.constant 0 : index
    %get3A_5 = vector.load %arg3[%get3A_2, %get3A_3, %get3A_4] : memref<1x128x4096xf32, #tpu.memory_space<vmem>>, vector<1x128x4096xf32>
    %get3A_6 = vector.shape_cast %get3A_5 : vector<1x128x4096xf32> to vector<128x4096xf32>
    %dot_general3A = arith.constant dense<0.000000e+00> : vector<5x4096xf32>
    %dot_general3A_7 = tpu.matmul %get3A_1, %get3A_6, %dot_general3A {dimension_numbers = #tpu.dot_dimension_numbers<[1], [0], [0], [1], [0, 0, 1, 1], [], []>, transpose_lhs_hint = false} : vector<5x128xf32>, vector<128x4096xf32>, vector<5x4096xf32> -> vector<5x4096xf32>
    %get3A_8 = arith.constant 0 : index
    %get3A_9 = arith.constant 0 : index
    %get3A_10 = vector.load %arg2[%get3A_8, %get3A_9] : memref<5x1xf32, #tpu.memory_space<vmem>>, vector<5x1xf32>
    %squeeze3A = vector.shape_cast %get3A_10 : vector<5x1xf32> to vector<5xf32>
    %broadcast_in_dim3A = vector.shape_cast %squeeze3A : vector<5xf32> to vector<5x1xf32>
    %add3A = vector.broadcast %broadcast_in_dim3A : vector<5x1xf32> to vector<5x4096xf32>
    %add3A_11 = arith.addf %dot_general3A_7, %add3A : vector<5x4096xf32>
    %swap3A = arith.constant 0 : index
    %swap3A_12 = arith.constant 0 : index
    %swap3A_13 = arith.constant 0 : index
    %swap3A_14 = vector.load %arg4[%swap3A, %swap3A_12, %swap3A_13] : memref<1x5x4096xf32, #tpu.memory_space<vmem>>, vector<1x5x4096xf32>
    %swap3A_15 = vector.shape_cast %swap3A_14 : vector<1x5x4096xf32> to vector<5x4096xf32>
    %swap3A_16 = vector.shape_cast %add3A_11 : vector<5x4096xf32> to vector<1x5x4096xf32>
    tpu.vector_store %arg4[%swap3A, %swap3A_12, %swap3A_13], %swap3A_16 {strides = array<i32>} : memref<1x5x4096xf32, #tpu.memory_space<vmem>>, vector<1x5x4096xf32>,
    return
  }
  func.func @transform_0(%arg0: i32) -> (i32, i32) {
    %c0_i32 = arith.constant 0 : i32
    %c0_i32_0 = arith.constant 0 : i32
    %c0_i32_1 = arith.constant 0 : i32
    return %c0_i32, %c0_i32_0 : i32, i32
  }
  func.func @transform_1(%arg0: i32) -> (i32, i32) {
    %c0_i32 = arith.constant 0 : i32
    %c0_i32_0 = arith.constant 0 : i32
    %c0_i32_1 = arith.constant 0 : i32
    return %c0_i32, %c0_i32_0 : i32, i32
  }
  func.func @transform_2(%arg0: i32) -> (i32, i32, i32) {
    %c0_i32 = arith.constant 0 : i32
    %c0_i32_0 = arith.constant 0 : i32
    %c0_i32_1 = arith.constant 0 : i32
    return %arg0, %c0_i32, %c0_i32_0 : i32, i32, i32
  }
  func.func @transform_3(%arg0: i32) -> (i32, i32, i32) {
    %c0_i32 = arith.constant 0 : i32
    %c0_i32_0 = arith.constant 0 : i32
    %c0_i32_1 = arith.constant 0 : i32
    return %arg0, %c0_i32, %c0_i32_0 : i32, i32, i32
  }
}

module attributes {stable_mosaic.version = 14 : i64} {
  func.func @_proj_kernel(%arg0: i32, %arg1: memref<13x128xf32, #tpu.memory_space<vmem>>, %arg2: memref<13x1xf32, #tpu.memory_space<vmem>>, %arg3: memref<1x128x4096xf32, #tpu.memory_space<vmem>>, %arg4: memref<1x13x4096xf32, #tpu.memory_space<vmem>>) attributes {dimension_semantics = [#tpu.dimension_semantics<arbitrary>], iteration_bounds = array<i64: 4>, scalar_prefetch = 0 : i64, scratch_operands = 0 : i64, tpu.core_type = #tpu.core_type<tc>, window_params = [{pipeline_mode = #tpu.pipeline_mode<synchronous>, transform_indices = @transform_0, window_bounds = array<i64: 13, 128>}, {pipeline_mode = #tpu.pipeline_mode<synchronous>, transform_indices = @transform_1, window_bounds = array<i64: 13, 1>}, {transform_indices = @transform_2, window_bounds = array<i64: 1, 128, 4096>}, {transform_indices = @transform_3, window_bounds = array<i64: 1, 13, 4096>}]} {
    %get3A = arith.constant 0 : index
    %get3A_0 = arith.constant 0 : index
    %get3A_1 = vector.load %arg1[%get3A, %get3A_0] : memref<13x128xf32, #tpu.memory_space<vmem>>, vector<13x128xf32>
    %get3A_2 = arith.constant 0 : index
    %get3A_3 = arith.constant 0 : index
    %get3A_4 = arith.constant 0 : index
    %get3A_5 = vector.load %arg3[%get3A_2, %get3A_3, %get3A_4] : memref<1x128x4096xf32, #tpu.memory_space<vmem>>, vector<1x128x4096xf32>
    %get3A_6 = vector.shape_cast %get3A_5 : vector<1x128x4096xf32> to vector<128x4096xf32>
    %dot_general3A = arith.constant dense<0.000000e+00> : vector<13x4096xf32>
    %dot_general3A_7 = tpu.matmul %get3A_1, %get3A_6, %dot_general3A {dimension_numbers = #tpu.dot_dimension_numbers<[1], [0], [0], [1], [0, 0, 1, 1], [], []>, transpose_lhs_hint = false} : vector<13x128xf32>, vector<128x4096xf32>, vector<13x4096xf32> -> vector<13x4096xf32>
    %get3A_8 = arith.constant 0 : index
    %get3A_9 = arith.constant 0 : index
    %get3A_10 = vector.load %arg2[%get3A_8, %get3A_9] : memref<13x1xf32, #tpu.memory_space<vmem>>, vector<13x1xf32>
    %squeeze3A = vector.shape_cast %get3A_10 : vector<13x1xf32> to vector<13xf32>
    %broadcast_in_dim3A = vector.shape_cast %squeeze3A : vector<13xf32> to vector<13x1xf32>
    %add3A = vector.broadcast %broadcast_in_dim3A : vector<13x1xf32> to vector<13x4096xf32>
    %add3A_11 = arith.addf %dot_general3A_7, %add3A : vector<13x4096xf32>
    %swap3A = arith.constant 0 : index
    %swap3A_12 = arith.constant 0 : index
    %swap3A_13 = arith.constant 0 : index
    %swap3A_14 = vector.load %arg4[%swap3A, %swap3A_12, %swap3A_13] : memref<1x13x4096xf32, #tpu.memory_space<vmem>>, vector<1x13x4096xf32>
    %swap3A_15 = vector.shape_cast %swap3A_14 : vector<1x13x4096xf32> to vector<13x4096xf32>
    %swap3A_16 = vector.shape_cast %add3A_11 : vector<13x4096xf32> to vector<1x13x4096xf32>
    tpu.vector_store %arg4[%swap3A, %swap3A_12, %swap3A_13], %swap3A_16 {strides = array<i32>} : memref<1x13x4096xf32, #tpu.memory_space<vmem>>, vector<1x13x4096xf32>,
    return
  }
  func.func @transform_0(%arg0: i32) -> (i32, i32) {
    %c0_i32 = arith.constant 0 : i32
    %c0_i32_0 = arith.constant 0 : i32
    %c0_i32_1 = arith.constant 0 : i32
    return %c0_i32, %c0_i32_0 : i32, i32
  }
  func.func @transform_1(%arg0: i32) -> (i32, i32) {
    %c0_i32 = arith.constant 0 : i32
    %c0_i32_0 = arith.constant 0 : i32
    %c0_i32_1 = arith.constant 0 : i32
    return %c0_i32, %c0_i32_0 : i32, i32
  }
  func.func @transform_2(%arg0: i32) -> (i32, i32, i32) {
    %c0_i32 = arith.constant 0 : i32
    %c0_i32_0 = arith.constant 0 : i32
    %c0_i32_1 = arith.constant 0 : i32
    return %arg0, %c0_i32, %c0_i32_0 : i32, i32, i32
  }
  func.func @transform_3(%arg0: i32) -> (i32, i32, i32) {
    %c0_i32 = arith.constant 0 : i32
    %c0_i32_0 = arith.constant 0 : i32
    %c0_i32_1 = arith.constant 0 : i32
    return %arg0, %c0_i32, %c0_i32_0 : i32, i32, i32
  }
}

</mosaic_0001>

<sc_bundles>
// kernel: gather_offload_async_start
scs
__scs_entry_jumppad:
0x0: {  	(pc) =	sbr.rel $0x88, $3  }
0x1: {  	(tag) =	ssettag $0x0;
	lr =	simm.s32 $0x1  }
0x2: {  	[smem:$0x3F18] =	sst lr;
	_ =	strace $0xD0000000  }
0x3: {  	_ = 	snop  }
0x4: {  	_ = 	snop  }
0x5: {  	_ = 	snop  }
0x6: {  	_ = 	snop  }
0x7: {  	_ = 	snop  }
__scs_overlays_trampoline_lowered:
0x8: {  	[smem:$0x3F27] =	sst s0  }
0x9: {  	[smem:$0x3F28] =	sst s1  }
0xa: {  	[smem:$0x3F29] =	sst s2  }
0xb: {  	[smem:$0x3F2A] =	sst s3  }
0xc: {  	[smem:$0x3F2B] =	sst s4  }
0xd: {  	[smem:$0x3F2C] =	sst s5  }
0xe: {  	[smem:$0x3F2D] =	sst s6  }
0xf: {  	[smem:$0x3F2E] =	sst s7  }
0x10: {  	[smem:$0x3F2F] =	sst s8  }
0x11: {  	[smem:$0x3F30] =	sst s9;
	s0 =	simm.s32 @!p0 $0x0  }
0x12: {  	s1 =	sld [smem:$0x3F16];
	s0 =	simm.s32 @p0 $0x1  }
0x13: {  	[smem:$0x3F31] =	sst s0;
	s0 =	simm.s32 @!p1 $0x0  }
0x14: {  	s2 =	sld [smem:$0x3F15];
	s0 =	simm.s32 @p1 $0x1  }
0x15: {  	[smem:$0x3F32] =	sst s0;
	s0 =	simm.s32 @!p2 $0x0  }
0x16: {  	s3 =	sld [smem:$0x3FDB];
	s0 =	simm.s32 @p2 $0x1  }
0x17: {  	s4 =	simm.s32 $0x1BF5;
	[smem:$0x3F34] =	sst s0  }
0x18: {  	s0 =	sld [smem:$0x3F17];
	_ =	swait.ge [sflag:s4], $0x0  }
0x19: {  	s7 =	sld [smem:$0x3F18]  }
0x1a: {  	s8 =	sadd.s32 $0xFFFFE003, lr  }
0x1b: {  	s9 =	sadd.s32 $0xFFFFFEF7, lr;
	s5 =	simm.s32 $0xFFFFFFFF;
	p2 =	slt.u32 s8, $0xFFFFF086  }
0x1c: {  	p1 =	slt.u32 s9, $0xF7A;
	s5 =	simm.s32 @!p2 $0x0  }
0x1d: {  	s5 =	simm.s32 @p1 $0x1;
	p0 =	seq.s32 s7, s2  }
0x1e: {  	s7 =	smul.u32 @!p0 $0xF7A, s2;
	p2 =	seq.s32 @!p0 s5, $0x0  }
0x1f: {  	s9 =	smul.u32 $0xF7A, s1;
	s8 =	simm.s32 @!p0 $0x1BF5;
	p2 =	por !p2, p0  }
0x20: {  	[sflag:s8] =	ssyncset.s32 @!p0 $0xFFFFF086;
	s6 =	sadd.s32 @!p0 s3, s7;
	s7 =	simm.s32 @!p0 $0x108  }
0x21: {  	s3 =	sadd.s32 s3, s9;
	s6 =	sadd.s32 @!p0 $0x88, s6;
	s7 =	simm.s32 @p2 $0x1082  }
0x22: {  	[simem:s7], [sflag:s8] =	dma.local @!p0 [hbm:s6], $0xF7A  }
0x23: {  	s9 =	sor.u32 $0xD0000000, s2;
	s6 =	simm.s32 $0x108;
	_ =	swait.ge @!p0 [sflag:s8], $0x0  }
0x24: {  	s3 =	sadd.s32 $0x88, s3;
	s6 =	simm.s32 @!p1 $0x1082;
	[sflag:s4] =	ssyncset.s32 $0xFFFFF086  }
0x25: {  	[simem:s6], [sflag:s4] =	dma.local [hbm:s3], $0xF7A  }
0x26: {  	[smem:$0x3F18] =	sst s1;
	(tag) =	ssettag s2;
	_ =	strace s9  }
0x27: {  	s1 =	sld [smem:$0x3F28]  }
0x28: {  	s2 =	sld [smem:$0x3F29]  }
0x29: {  	s4 =	sld [smem:$0x3F2B]  }
0x2a: {  	p0 =	seq.s32 s5, $0x0;
	s5 =	sld [smem:$0x3F2C]  }
0x2b: {  	s6 =	sld [smem:$0x3F2D]  }
0x2c: {  	s7 =	sld [smem:$0x3F2E]  }
0x2d: {  	s3 =	simm.s32 $0x108;
	s8 =	sld [smem:$0x3F2F]  }
0x2e: {  	s3 =	simm.s32 @!p0 $0x1082;
	s9 =	sld [smem:$0x3F30]  }
0x2f: {  	lr =	sadd.s32 s0, s3;
	s0 =	sld [smem:$0x3F27]  }
0x30: {  	s3 =	sld [smem:$0x3F2A]  }
0x31: {  	[smem:$0x3F33] =	sst s10  }
0x32: {  	s10 =	sld [smem:$0x3F31];
	_ =	sdelay $0x3  }
0x33: {  	p0 =	seq.s32 s10, $0x1;
	s10 =	sld [smem:$0x3F33];
	_ =	sdelay $0x3  }
0x34: {  	[smem:$0x3F33] =	sst s10  }
0x35: {  	s10 =	sld [smem:$0x3F32];
	_ =	sdelay $0x3  }
0x36: {  	p1 =	seq.s32 s10, $0x1;
	s10 =	sld [smem:$0x3F33];
	_ =	sdelay $0x3  }
0x37: {  	[smem:$0x3F33] =	sst s10  }
0x38: {  	s10 =	sld [smem:$0x3F34]  }
0x39: {  	_ = 	snop;
	(pc) =	sbr.ind lr, $3  }
0x3a: {  	_ = 	snop  }
0x3b: {  	_ = 	snop  }
0x3c: {  	p2 =	seq.s32 s10, $0x1;
	s10 =	sld [smem:$0x3F33]  }
0x3d: {  	_ =	shalt  }
0x3e: {  	_ =	shalt  }
0x3f: {  	_ =	shalt  }
0x40: {  	_ =	shalt  }
0x41: {  	_ =	shalt  }
0x42: {  	_ =	shalt  }
0x43: {  	_ =	shalt  }
0x44: {  	_ =	shalt  }
0x45: {  	_ =	shalt  }
0x46: {  	_ =	shalt  }
0x47: {  	_ =	shalt  }
0x48: {  	_ =	shalt  }
0x49: {  	_ =	shalt  }
0x4a: {  	_ =	shalt  }
0x4b: {  	_ =	shalt  }
0x4c: {  	_ =	shalt  }
0x4d: {  	_ =	shalt  }
0x4e: {  	_ =	shalt  }
0x4f: {  	_ =	shalt  }
0x50: {  	_ =	shalt  }
0x51: {  	_ =	shalt  }
0x52: {  	_ =	shalt  }
0x53: {  	_ =	shalt  }
0x54: {  	_ =	shalt  }
0x55: {  	_ =	shalt  }
0x56: {  	_ =	shalt  }
0x57: {  	_ =	shalt  }
0x58: {  	_ =	shalt  }
0x59: {  	_ =	shalt  }
0x5a: {  	_ =	shalt  }
0x5b: {  	_ =	shalt  }
0x5c: {  	_ =	shalt  }
0x5d: {  	_ =	shalt  }
0x5e: {  	_ =	shalt  }
0x5f: {  	_ =	shalt  }
0x60: {  	_ =	shalt  }
0x61: {  	_ =	shalt  }
0x62: {  	_ =	shalt  }
0x63: {  	_ =	shalt  }
0x64: {  	_ =	shalt  }
0x65: {  	_ =	shalt  }
0x66: {  	_ =	shalt  }
0x67: {  	_ =	shalt  }
0x68: {  	_ =	shalt  }
0x69: {  	_ =	shalt  }
0x6a: {  	_ =	shalt  }
0x6b: {  	_ =	shalt  }
0x6c: {  	_ =	shalt  }
0x6d: {  	_ =	shalt  }
0x6e: {  	_ =	shalt  }
0x6f: {  	_ =	shalt  }
0x70: {  	_ =	shalt  }
0x71: {  	_ =	shalt  }
0x72: {  	_ =	shalt  }
0x73: {  	_ =	shalt  }
0x74: {  	_ =	shalt  }
0x75: {  	_ =	shalt  }
0x76: {  	_ =	shalt  }
0x77: {  	_ =	shalt  }
0x78: {  	_ =	shalt  }
0x79: {  	_ =	shalt  }
0x7a: {  	_ =	shalt  }
0x7b: {  	_ =	shalt  }
0x7c: {  	_ =	shalt  }
0x7d: {  	_ =	shalt  }
0x7e: {  	_ =	shalt  }
0x7f: {  	_ =	shalt  }
0x80: {  	_ =	shalt  }
0x81: {  	_ =	shalt  }
0x82: {  	_ =	shalt  }
0x83: {  	_ =	shalt  }
0x84: {  	_ =	shalt  }
0x85: {  	_ =	shalt  }
0x86: {  	_ =	shalt  }
0x87: {  	_ =	shalt  }
.Lfunc_end0:
.L_simem_size_0:
called_computation.1_lowered:
.L_overlay_start_0:
0x88: {  	s2 =	sld [smem:$0x3FD9]  }
0x89: {  	s3 =	sld [smem:$0x3FFE];
	_ =	sdelay $0x1  }
0x8a: {  	s1 =	srdreg.scid  }
0x8b: {  	s0 =	sand.u32 $0x1, s1  }
0x8c: {  	s14 =	sshll.u32 s0, $0xA;
	s2 =	sadd.s32 s3, s2  }
0x8d: {  	s2 =	sadd.s32 s2, s14  }
0x8e: {  	[smem:$0x3F3F] =	sst s2  }
0x8f: {  	_ = 	snop  }
0x90: {  	s2 =	sld [smem:$0x3FD0];
	_ =	sdelay $0x2  }
0x91: {  	s15 =	simm.s32 $0xA;
	s4 =	simm.s32 $0x10  }
0x92: {  	[smem:s4], [sflag:s15] =	dma.local [hbm:s2], $0x1  }
0x93: {  	_ =	swait.eq [sflag:s15], $0x1  }
0x94: {  	[sflag:s15] =	ssyncset.done $0x0  }
0x95: {  	[sflag:s15] =	ssyncadd.s32 $0xFFFFFFFF  }
0x96: {  	s16 =	sld [smem:$0x10];
	(tm) =	ssettm $0x1  }
0x97: {  	s17 =	sld [smem:$0x3FFB];
	_ =	sdelay $0x3  }
0x98: {  	_ =	strace s17  }
0x99: {  	s3 =	sld [smem:$0x3FFC];
	_ =	sdelay $0x3  }
0x9a: {  	_ =	strace s3  }
0x9b: {  	s3 =	sld [smem:$0x3FFD];
	_ =	sdelay $0x3  }
0x9c: {  	_ =	strace s3  }
0x9d: {  	_ =	strace $0x8FFFFFFF  }
0x9e: {  	s18 =	sld [smem:$0x3FDB];
	_ =	sdelay $0x1  }
0x9f: {  	s19 =	simm.s32 $_scs_section_size  }
0xa0: {  	s5 =	simm.s32 $_size__tile_overlayer_lowered;
	s6 =	simm.s32 $_tile_overlayer_lowered  }
0xa1: {  	s22 =	simm.s32 $0x1BFF;
	s21 =	sshll.u32 s6, $0x1;
	s3 =	sadd.s32 s19, s18  }
0xa2: {  	s7 =	simm.s32 $0x0;
	s20 =	sshll.u32 s5, $0x1;
	s5 =	sadd.s32 s21, s3  }
0xa3: {  	[timem:s7], [sflag:s22] =	dma.local [hbm:s5], s20  }
0xa4: {  	_ =	swait.ge [sflag:s22], s20  }
0xa5: {  	s4 =	ssub.s32 $0x0, s20;
	[sflag:s22] =	ssyncset.done $0x0  }
0xa6: {  	[sflag:s22] =	ssyncadd.s32 s4;
	_ =	sdelay $0x1  }
0xa7: {  	s23 =	simm.s32 $0x1B8B  }
0xa8: {  	_ =	swait.ge [sflag:s23], $0x1  }
0xa9: {  	[sflag:s23] =	ssyncset.done $0x0  }
0xaa: {  	s25 =	simm.s32 $0x1B8E;
	s24 =	sld [smem:$0x3FFE];
	[sflag:s23] =	ssyncadd.s32 $0xFFFFFFFF  }
0xab: {  	s26 =	simm.s32 $execute0_lowered;
	[smem:$0x3FD2] =	sst s25  }
0xac: {  	s5 =	sshll.u32 s26, $0x1;
	_ =	strace $0x80000046;
	[dreg:$0x1] =	wrdreg $0xFFFFFFFF  }
0xad: {  	s28 =	simm.s32 $_size_execute0_lowered;
	s3 =	sadd.s32 s3, s5;
	[dreg:$0x0] =	wrdreg $0x0  }
0xae: {  	s5 =	sshll.u32 s28, $0x1;
	[dreg:$0x2] =	wrdreg s3  }
0xaf: {  	[dreg:$0x3] =	wrdreg s5  }
0xb0: {  	[dreg:$0x4] =	wrdreg $0xC0  }
0xb1: {  	_ =	task [dreg:s7], $0x5FFFF  }
0xb2: {  	[dreg:$0x1] =	wrdreg $0xFFFFFFFF  }
0xb3: {  	[dreg:$0x0] =	wrdreg $0x60  }
0xb4: {  	[dreg:$0x2] =	wrdreg s24  }
0xb5: {  	[dreg:$0x3] =	wrdreg s16  }
0xb6: {  	[dreg:$0x4] =	wrdreg $0x9  }
0xb7: {  	_ =	task.clear_ibuf [dreg:s7], $0x5FFFF;
	_ =	strace $0x90000046  }
0xb8: {  	s29 =	simm.s32 $0x9;
	_ =	strace $0x80000048  }
0xb9: {  	_ =	swait.ge [sflag:s29], $0x1  }
0xba: {  	[sflag:s29] =	ssyncadd.s32 $0xFFFFFFFF  }
0xbb: {  	_ =	strace $0x90000048  }
0xbc: {  	_ =	sfence  }
0xbd: {  	s30 =	sld [smem:$0x0];
	_ =	sdelay $0x2  }
0xbe: {  	s31 =	sshll.u32 s1, $0xD;
	s1 =	sshrl.u32 s1, $0x2  }
0xbf: {  	s3 =	sand.u32 $0x4000, s31;
	s1 =	sadd.s32 s1, s30  }
0xc0: {  	s0 =	sor.u32 s3, s0;
	s1 =	sshll.u32 s1, $0x11  }
0xc1: {  	s0 =	sor.u32 s1, s0  }
0xc2: {  	s0 =	sadd.s32 $0x8F2B, s0  }
0xc3: {  	[sflag:s0] =	ssyncadd.remote.s32 $0x1  }
0xc4: {  	_ =	sfence.sel $0xFFFF  }
0xc5: {  	[dreg:$0x0] =	wrdreg $0xFFFFFFFF;
	(pc) =	sbr.abs _section_cstart, $3  }
0xc6: {  	[dreg:$0x1] =	wrdreg $0xFFFFFFFF  }
0xc7: {  	_ =	task.clear_ibuf [dreg:s7], $0x2FFFF;
	_ =	strace $0x9FFFFFFF  }
0xc8: {  	(tm) =	ssettm $0x7FFFFFFF  }
0xc9: {  	_ =	shalt  }
tec
execute0_lowered:
.L_overlay_start_1:
0x0: {  	(tag) =	ssettag $0x1  }
0x1: {  	s7 =	rddreg [dreg:$0x0]  }
0x2: {  	s2 =	rddreg [dreg:$0x1]  }
0x3: {  	s0 =	rddreg [dreg:$0x2]  }
0x4: {  	s1 =	srdreg.scid;
	_ =	strace $0x80000047;
	s4 =	simm.s32 $0x1  }
0x5: {  	s9 =	simm.s32 $0x3;
	s12 =	simm.s32 $0x0;
	s5 =	sshll.u32 s1, $0x4  }
.Ltmp0:
0x6: {  	s1 =	stileid.u32;
	s5 =	sand.u32 $0x10, s5;
	(pc) =	sbr.rel .LBB2_1-.Ltmp0, $4  }
0x7: {  	s10 =	simm.s32 $0x0;
	s3 =	sadd.s32 $0x200, s7;
	s6 =	sor.u32 s1, s5  }
0x8: {  	[sflag:s4] =	ssyncpa.u1 $0x0;
	s5 =	simm.s32 $0x2;
	s6 =	sshll.u32 s6, $0x7  }
0x9: {  	s7 =	sadd.s32 $0x40200, s7;
	[sflag:s5] =	ssyncpa.u1 $0x0;
	s8 =	sadd.s32 $0x80, s6  }
0xa: {  	vm0 =	vmmov $0xff;
	vm1 =	vcmask $0x3F20;
	[sflag:s9] =	ssyncpa.u1 $0x0;
	s9 =	simm.s32 $0x80;
	s11 =	smov.u32 s6  }
.LBB2_9:
0xb: {  	p0 =	seq.s32 s10, $0x2  }
.Ltmp1:
0xc: {  	_ = 	snop;
	(pc) =	sbr.rel @p0 .LBB2_11-.Ltmp1, $1  }
0xd: {  	_ =	sdelay $0x3  }
.LBB2_10:
0xe: {  	s12 =	sadd.s32 $0x80, s11  }
0xf: {  	s13 =	smov.u32 s6;
	p0 =	slt.s32 s12, s8  }
0x10: {  	s13 =	smov.u32 @p0 s12  }
0x11: {  	s10 =	sadd.s32 $0x1, s10;
	s12 =	smov.u32 s11;
	s11 =	smov.u32 s13  }
.LBB2_1:
0x12: {  	p0 =	sne.s32 s10, $0x0  }
.Ltmp2:
0x13: {  	_ = 	snop;
	(pc) =	sbr.rel @!p0 .LBB2_2-.Ltmp2, $1  }
0x14: {  	_ =	sdelay $0x3  }
0x15: {  	s13 =	sand.u32 $0x1, s10  }
0x16: {  	p0 =	seq.s32 s13, $0x0  }
.Ltmp3:
0x17: {  	_ = 	snop;
	(pc) =	sbr.rel @p0 .LBB2_9-.Ltmp3, $1  }
0x18: {  	_ =	sdelay $0x3  }
0x19: {  	_ =	swait.ge [sflag:s5], $0x80  }
0x1a: {  	[sflag:s5] =	ssyncset.done $0x0  }
0x1b: {  	s13 =	simm.s32 $0x0;
	[sflag:s5] =	ssyncadd.s32 $0xFFFFFF80  }
0x1c: {  	v0 =	vld.msk [tilespmem:s13+$0x80 ss:$0x1], $0xffff;
	_ =	sdelay $0x4  }
0x1d: {  	v1 =	vshll.u32 v0, $0x5  }
0x1e: {  	vm2 =	veq.s32 v0, $0x80000000;
	v0 =	vshll.u32 v0, $0x13;
	v1 =	vand.u32 $0x7FF80, v1  }
0x1f: {  	v0 =	vand.u32 $0x180000, v0;
	v1 =	vsel vm2, $0xFFFFFF80, v1  }
0x20: {  	v0 =	vsel vm2, $0xFFF80000, v0;
	v2 =	vand.u32 $0xFFFFFC00, v1  }
0x21: {  	v1 =	vand.u32 $0x380, v1;
	v0 =	vadd.s32 v0, v2  }
0x22: {  	v0 =	vor.u32 v1, v0  }
0x23: {  	v0 =	vshrl.u32 v0, $0x3;
	_ =	sdelay $0x3  }
0x24: {  	s13 =	simm.s32 $0x4100  }
0x25: {  	[tilespmem:s13], [sflag:$0x1] =	stream.indirect_vreg.gather [hbm:s3], $0x80, v0, vm0, $0x38;
	[tilespmem:$0x8100] =	vst v63  }
0x26: {  	s14 =	simm.s32 $0x4500;
	s31 =	simm.s32 $0x10  }
0x27: {  	[tilespmem:s14], [sflag:$0x1] =	stream.indirect_vreg.gather [hbm:s3], $0x80, v0, vm1, $0x38;
	[tilespmem:$0x8100] =	vst v63  }
0x28: {  	s14 =	simm.s32 $0x80;
	v0 =	vld.msk [tilespmem:s31+$0x80 ss:$0x1], $0xffff  }
.LBB2_5:
0x29: {  	p0 =	sne.s32 s14, $0x1C0;
	_ =	sdelay $0x4  }
0x2a: {  	v1 =	vshll.u32 v0, $0x5  }
0x2b: {  	vm2 =	veq.s32 v0, $0x80000000;
	v0 =	vshll.u32 v0, $0x13;
	v1 =	vand.u32 $0x7FF80, v1  }
0x2c: {  	v0 =	vand.u32 $0x180000, v0;
	v1 =	vsel vm2, $0xFFFFFF80, v1  }
0x2d: {  	v0 =	vsel vm2, $0xFFF80000, v0;
	v2 =	vand.u32 $0xFFFFFC00, v1  }
0x2e: {  	v1 =	vand.u32 $0x380, v1;
	v0 =	vadd.s32 v0, v2  }
0x2f: {  	v0 =	vor.u32 v1, v0  }
0x30: {  	v0 =	vshrl.u32 v0, $0x3;
	_ =	sdelay $0x3  }
.Ltmp4:
0x31: {  	s13 =	sadd.s32 $0x800, s13;
	(pc) =	sbr.rel @p0 .LBB2_5-.Ltmp4, $4  }
0x32: {  	[tilespmem:s13], [sflag:$0x1] =	stream.indirect_vreg.gather [hbm:s3], $0x80, v0, vm0, $0x38;
	[tilespmem:$0x8100] =	vst v63  }
0x33: {  	s15 =	sshra.s32 s14, $0x2;
	s16 =	sadd.s32 $0x400, s13  }
0x34: {  	[tilespmem:s16], [sflag:$0x1] =	stream.indirect_vreg.gather [hbm:s3], $0x80, v0, vm1, $0x38;
	[tilespmem:$0x8100] =	vst v63  }
0x35: {  	s14 =	sadd.s32 $0x40, s14;
	v0 =	vld.msk [tilespmem:s15+$0x80 ss:$0x1], $0xffff  }
0x36: {  	_ =	sdelay $0x3  }
0x37: {  	v1 =	vshll.u32 v0, $0x5  }
0x38: {  	vm2 =	veq.s32 v0, $0x80000000;
	v63 =	vshll.u32 v0, $0x13;
	v1 =	vand.u32 $0x7FF80, v1  }
0x39: {  	v0 =	vand.u32 $0x180000, v63;
	v1 =	vsel vm2, $0xFFFFFF80, v1  }
0x3a: {  	v0 =	vsel vm2, $0xFFF80000, v0;
	v2 =	vand.u32 $0xFFFFFC00, v1  }
0x3b: {  	v1 =	vand.u32 $0x380, v1;
	v0 =	vadd.s32 v0, v2  }
0x3c: {  	v0 =	vor.u32 v1, v0  }
0x3d: {  	v0 =	vshrl.u32 v0, $0x3;
	_ =	sdelay $0x3  }
0x3e: {  	s13 =	sadd.s32 $0x800, s13  }
0x3f: {  	[tilespmem:s13], [sflag:$0x1] =	stream.indirect_vreg.gather [hbm:s3], $0x80, v0, vm0, $0x38;
	[tilespmem:$0x8100] =	vst v63  }
0x40: {  	s13 =	sadd.s32 $0x400, s13  }
0x41: {  	[tilespmem:s13], [sflag:$0x1] =	stream.indirect_vreg.gather [hbm:s3], $0x80, v0, vm1, $0x38;
	[tilespmem:$0x8100] =	vst v63  }
0x42: {  	s12 =	sshll.u32 s12, $0x4;
	s14 =	simm.s32 $0x80;
	_ =	swait.ge [sflag:s4], $0x4000  }
0x43: {  	s15 =	simm.s32 $0x4500;
	s12 =	sadd.s32 s12, s7;
	[sflag:s4] =	ssyncset.done $0x0  }
0x44: {  	s16 =	sadd.s32 $0x0, s12;
	s13 =	simm.s32 $0x4100;
	[sflag:s4] =	ssyncadd.s32 $0xFFFFC000  }
.LBB2_7:
0x45: {  	[hbm:s16] =	stream.linear.scatter [tilespmem:s13], [sflag:$0x3], $0x400, $0x38;
	[tilespmem:$0x8100] =	vst v63  }
0x46: {  	s16 =	smov.u32 s14;
	s13 =	smov.u32 s15;
	p0 =	sne.s32 s14, $0x780  }
.Ltmp5:
0x47: {  	s14 =	sadd.s32 $0x80, s14;
	(pc) =	sbr.rel @p0 .LBB2_7-.Ltmp5, $2  }
0x48: {  	_ =	sdelay $0x2  }
0x49: {  	s15 =	sadd.s32 $0x400, s15;
	s16 =	sadd.s32 s16, s12  }
.Ltmp6:
0x4a: {  	(pc) =	sbr.rel .LBB2_9-.Ltmp6, $2  }
0x4b: {  	_ =	sdelay $0x2  }
0x4c: {  	[hbm:s16] =	stream.linear.scatter [tilespmem:s13], [sflag:$0x3], $0x400, $0x38;
	[tilespmem:$0x8100] =	vst v63  }
.LBB2_2:
.Ltmp7:
0x4d: {  	(pc) =	sbr.rel .LBB2_10-.Ltmp7, $4  }
0x4e: {  	_ = 	snop  }
0x4f: {  	s12 =	sshrl.u32 s11, $0x3  }
0x50: {  	s13 =	sand.u32 $0x7, s11;
	s12 =	sadd.s32 s2, s12  }
0x51: {  	[tilespmem:s9], [sflag:$0x2] =	stream.linear.gather [hbm4b:s12+s13], $0x80, $0x38;
	[tilespmem:$0x8100] =	vst v63  }
.LBB2_11:
0x52: {  	s2 =	simm.s32 $0x3  }
0x53: {  	_ =	swait.ge [sflag:s2], $0x4000  }
0x54: {  	[sflag:s2] =	ssyncset.done $0x0  }
0x55: {  	[sflag:s2] =	ssyncadd.s32 $0xFFFFC000  }
0x56: {  	_ =	sfence.sel $0x180000  }
0x57: {  	s3 =	simm.s32 $0x2;
	[bflag:$0x0] =	sbarrier.arrive $0xFFFF  }
0x58: {  	[sflag:s3] =	ssyncpa.u1 $0x1  }
0x59: {  	s31 =	simm.s32 $0x1;
	[sflag:s2] =	ssyncpa.u1 $0x1  }
0x5a: {  	[sflag:s31] =	ssyncpa.u1 $0x1  }
0x5b: {  	p0 =	sne.s32 s1, $0x0;
	_ =	strace $0x90000047  }
0x5c: {  	s0 =	sadd.s32 @!p0 $0x100000, s0;
	[bflag:$0x2] =	sbarrier.arrive $0xFFFF  }
0x5d: {  	[sflag:s0] =	ssyncadd.tile.s32 @!p0 $0x1;
	_ =	shalt  }
.Lfunc_end2:
_tile_overlayer_lowered:
.L_overlay_start_2:
0x5e: {  	(tag) =	ssettag $0x2  }
0x5f: {  	s0 =	rddreg [dreg:$0x0];
	s2 =	stileid.u32  }
0x60: {  	s1 =	rddreg [dreg:$0x1];
	p0 =	sne.s32 s2, $0x0  }
0x61: {  	s3 =	rddreg [dreg:$0x2];
	[bflag:$0x3] =	sbarrier.arrive $0xFFFF;
	s2 =	simm.s32 @!p0 $0x1C01  }
0x62: {  	[timem:s3], [sflag:s2] =	dma.local @!p0 [hbm:s0], s1  }
0x63: {  	s0 =	simm.s32 @!p0 $0x1  }
0x64: {  	_ =	swait.ge @!p0 [sflag:s0], s1  }
0x65: {  	s1 =	ssub.s32 @!p0 $0x0, s1;
	[sflag:s0] =	ssyncset.done @!p0 $0x0  }
0x66: {  	[sflag:s0] =	ssyncadd.s32 @!p0 s1  }
0x67: {  	[bflag:$0x3] =	sbarrier.arrive $0xFFFF  }
0x68: {  	_ =	shalt  }

// kernel: sparse-core-data-format-call.cloned.1.call-start
scs
called_computation_lowered:
.L_overlay_start_0:
0x0: {  	s1 =	sld [smem:$0x3FD9]  }
0x1: {  	s2 =	sld [smem:$0x3FFE];
	_ =	sdelay $0x1  }
0x2: {  	s3 =	srdreg.scid  }
0x3: {  	s0 =	sand.u32 $0x1, s3  }
0x4: {  	s17 =	sshll.u32 s0, $0xA;
	s1 =	sadd.s32 s2, s1  }
0x5: {  	s1 =	sadd.s32 s1, s17  }
0x6: {  	[smem:$0x3F3F] =	sst s1  }
0x7: {  	_ = 	snop  }
0x8: {  	(tm) =	ssettm $0x1  }
0x9: {  	s18 =	sld [smem:$0x3FFB];
	_ =	sdelay $0x3  }
0xa: {  	_ =	strace s18  }
0xb: {  	s1 =	sld [smem:$0x3FFC];
	_ =	sdelay $0x3  }
0xc: {  	_ =	strace s1  }
0xd: {  	s1 =	sld [smem:$0x3FFD];
	_ =	sdelay $0x3  }
0xe: {  	_ =	strace s1  }
0xf: {  	_ =	strace $0x8FFFFFFF  }
0x10: {  	s19 =	sld [smem:$0x3FDB];
	_ =	sdelay $0x1  }
0x11: {  	s20 =	simm.s32 $_scs_section_size  }
0x12: {  	s4 =	simm.s32 $_size__tile_overlayer_lowered;
	s5 =	simm.s32 $_tile_overlayer_lowered  }
0x13: {  	s23 =	simm.s32 $0x1BFF;
	s22 =	sshll.u32 s5, $0x1;
	s1 =	sadd.s32 s20, s19  }
0x14: {  	s6 =	simm.s32 $0x0;
	s21 =	sshll.u32 s4, $0x1;
	s4 =	sadd.s32 s22, s1  }
0x15: {  	[timem:s6], [sflag:s23] =	dma.local [hbm:s4], s21  }
0x16: {  	_ =	swait.ge [sflag:s23], s21  }
0x17: {  	s2 =	ssub.s32 $0x0, s21;
	[sflag:s23] =	ssyncset.done $0x0  }
0x18: {  	[sflag:s23] =	ssyncadd.s32 s2;
	_ =	sdelay $0x1  }
0x19: {  	s24 =	simm.s32 $0x1B8B  }
0x1a: {  	_ =	swait.ge [sflag:s24], $0x1  }
0x1b: {  	[sflag:s24] =	ssyncset.done $0x0  }
0x1c: {  	s26 =	simm.s32 $0x1B8E;
	s25 =	sld [smem:$0x3FFE];
	[sflag:s24] =	ssyncadd.s32 $0xFFFFFFFF  }
0x1d: {  	s27 =	simm.s32 $execute0_lowered;
	[smem:$0x3FD2] =	sst s26  }
0x1e: {  	s4 =	sshll.u32 s27, $0x1;
	_ =	strace $0x80000049;
	[dreg:$0x1] =	wrdreg $0xFFFFFFFF  }
0x1f: {  	s28 =	simm.s32 $_size_execute0_lowered;
	s1 =	sadd.s32 s1, s4;
	[dreg:$0x0] =	wrdreg $0x0  }
0x20: {  	s4 =	sshll.u32 s28, $0x1;
	[dreg:$0x2] =	wrdreg s1  }
0x21: {  	[dreg:$0x3] =	wrdreg s4  }
0x22: {  	[dreg:$0x4] =	wrdreg $0xC0  }
0x23: {  	_ =	task [dreg:s6], $0x5FFFF  }
0x24: {  	[dreg:$0x1] =	wrdreg $0xFFFFFFFF  }
0x25: {  	[dreg:$0x0] =	wrdreg $0x60  }
0x26: {  	[dreg:$0x2] =	wrdreg s25  }
0x27: {  	[dreg:$0x3] =	wrdreg $0x9  }
0x28: {  	_ =	task.clear_ibuf [dreg:s6], $0x4FFFF;
	_ =	strace $0x90000049  }
0x29: {  	s29 =	simm.s32 $0x9;
	_ =	strace $0x8000004B  }
0x2a: {  	_ =	swait.ge [sflag:s29], $0x1  }
0x2b: {  	[sflag:s29] =	ssyncadd.s32 $0xFFFFFFFF  }
0x2c: {  	_ =	strace $0x9000004B  }
0x2d: {  	_ =	sfence  }
0x2e: {  	s30 =	sld [smem:$0x0];
	_ =	sdelay $0x2  }
0x2f: {  	s31 =	sshll.u32 s3, $0xD;
	s3 =	sshrl.u32 s3, $0x2  }
0x30: {  	s2 =	sand.u32 $0x4000, s31;
	s1 =	sadd.s32 s3, s30  }
0x31: {  	s0 =	sor.u32 s2, s0;
	s1 =	sshll.u32 s1, $0x11  }
0x32: {  	s0 =	sor.u32 s1, s0  }
0x33: {  	s0 =	sadd.s32 $0x8F2B, s0  }
0x34: {  	[sflag:s0] =	ssyncadd.remote.s32 $0x1  }
0x35: {  	_ =	sfence.sel $0xFFFF  }
0x36: {  	[dreg:$0x0] =	wrdreg $0xFFFFFFFF;
	(pc) =	sbr.abs _section_cstart, $3  }
0x37: {  	[dreg:$0x1] =	wrdreg $0xFFFFFFFF  }
0x38: {  	_ =	task.clear_ibuf [dreg:s6], $0x2FFFF;
	_ =	strace $0x9FFFFFFF  }
0x39: {  	(tm) =	ssettm $0x7FFFFFFF  }
tec
execute0_lowered:
.L_overlay_start_1:
0x0: {  	(tag) =	ssettag $0x1  }
0x1: {  	s0 =	stileid.u32;
	s1 =	srdreg.scid  }
0x2: {  	s4 =	rddreg [dreg:$0x0];
	s7 =	simm.s32 $0x1;
	s31 =	simm.s32 $0x2  }
0x3: {  	s16 =	simm.s32 $0x0;
	s2 =	sshll.u32 s0, $0x5;
	s1 =	sshll.u32 s1, $0x9  }
0x4: {  	s9 =	simm.s32 $0x8000;
	s14 =	simm.s32 $0x0;
	s1 =	sor.u32 s2, s1  }
0x5: {  	s15 =	simm.s32 $0x0;
	s10 =	simm.s32 $0x0;
	s2 =	sand.u32 $0x380, s1  }
0x6: {  	s13 =	simm.s32 $0x0;
	s3 =	sadd.s32 $0x40400, s4;
	s5 =	ssub.s32 $0x1000, s2  }
0x7: {  	s4 =	sadd.s32 $0x840400, s4;
	s1 =	rddreg [dreg:$0x1];
	s6 =	sand.u32 $0x380, s5  }
.Ltmp0:
0x8: {  	_ =	strace $0x8000004A;
	p0 =	sne.s32 s6, $0x0;
	(pc) =	sbr.rel .LBB1_1-.Ltmp0, $4  }
0x9: {  	s11 =	smov.u32 s2;
	s8 =	sshrl.u32 s5, $0xA;
	s7 =	simm.s32 @!p0 $0x0  }
0xa: {  	s5 =	sand.u32 $0x3, s0;
	s6 =	simm.s32 $0x1;
	s7 =	sadd.s32 s7, s8  }
0xb: {  	s12 =	smov.u32 s5;
	[sflag:s6] =	ssyncpa.u1 $0x0;
	s7 =	sshll.u32 s7, $0x5  }
0xc: {  	p0 =	por $0x0, $0x0;
	[sflag:s31] =	ssyncpa.u1 $0x0;
	s8 =	sor.u32 $0x1, s7  }
.LBB1_4:
0xd: {  	v5 =	vld [tilespmem:s19+$0xFFFFFFD0]  }
0xe: {  	[tilespmem:s20+$0x2040 ss:$0x81] =	vst.msk $0xffff, v1;
	v58 =	vld [tilespmem:s19+$0xFFFFFFE0]  }
0xf: {  	[tilespmem:s20+$0x2850 ss:$0x81] =	vst.msk $0xffff, v2;
	v59 =	vld [tilespmem:s19+$0xFFFFFFF0]  }
0x10: {  	s21 =	sshra.s32 s21, $0x2;
	[tilespmem:s20+$0x3060 ss:$0x81] =	vst.msk $0xffff, v3;
	v60 =	vld [tilespmem:s19+$0x0]  }
0x11: {  	[tilespmem:s20+$0x0 ss:$0x81] =	vst.msk $0xffff, v0;
	v61 =	vld [tilespmem:s19+$0x10];
	s18 =	sadd.s32 s21, s18  }
0x12: {  	s26 =	sshll.u32 s16, $0xC;
	v62 =	vld [tilespmem:s19+$0x20];
	[tilespmem:s18+$0x3870 ss:$0x81] =	vst.msk $0xffff, v4  }
0x13: {  	s27 =	sand.u32 $0x78, s14;
	s22 =	sshll.u32 s14, $0x3;
	v63 =	vld [tilespmem:s19+$0xFFFFFFC0];
	s29 =	sshll.u32 s16, $0x7;
	[tilespmem:s18+$0x810 ss:$0x81] =	vst.msk $0xffff, v5  }
0x14: {  	s15 =	sshll.u32 s15, $0x15;
	s20 =	sand.u32 $0xFF8000, s26;
	s28 =	sand.u32 $0xFFFC00, s22;
	[tilespmem:s18+$0x1020 ss:$0x81] =	vst.msk $0xffff, v58  }
0x15: {  	s31 =	sand.u32 $0x7, s14;
	s22 =	sand.u32 $0xC00, s22;
	s19 =	sadd.s32 s28, s20;
	[tilespmem:s18+$0x1830 ss:$0x81] =	vst.msk $0xffff, v59  }
0x16: {  	s16 =	sand.u32 $0x380, s29;
	s30 =	sor.u32 s27, s22;
	s19 =	sshrl.u32 s19, $0x3;
	[tilespmem:s18+$0x2040 ss:$0x81] =	vst.msk $0xffff, v60  }
0x17: {  	s15 =	sadd.s32 s4, s15;
	s16 =	sor.u32 s16, s30;
	s19 =	sand.u32 $0x1FFE00, s19;
	[tilespmem:s18+$0x2850 ss:$0x81] =	vst.msk $0xffff, v61  }
0x18: {  	s14 =	sshll.u32 s31, $0x12;
	s16 =	sshrl.u32 s16, $0x3;
	[tilespmem:s18+$0x3060 ss:$0x81] =	vst.msk $0xffff, v62;
	s15 =	sadd.s32 s19, s15  }
0x19: {  	s14 =	sor.u32 $0x400, s14;
	[tilespmem:s18+$0x0 ss:$0x81] =	vst.msk $0xffff, v63;
	s15 =	sadd.s32 s16, s15  }
0x1a: {  	[hbm4b:s15+s14] =	stream.strided.scatter [tilespmem:s17], [sflag:$0x2], $0x4000, s9, s14, $0x20;
	[tilespmem:$0x10100] =	vst v63  }
.LBB1_5:
0x1b: {  	s17 =	sadd.s32 $0x80, s10  }
0x1c: {  	s14 =	sadd.s32 $0x400, s11;
	s18 =	smov.u32 s11;
	p2 =	sgt.s32 s17, $0xFFF  }
0x1d: {  	s18 =	smov.u32 @p2 s14  }
0x1e: {  	s20 =	smov.u32 s12;
	s14 =	sadd.s32 $0x4, s12;
	p3 =	sgt.s32 s18, $0xFFF  }
0x1f: {  	s20 =	smov.u32 @p3 s14  }
0x20: {  	s17 =	simm.s32 @p2 $0x0;
	p2 =	sgt.s32 s20, $0x3  }
0x21: {  	p1 =	slt.u32 s13, $0x2;
	s20 =	smov.u32 @p2 s5;
	p2 =	sne.s32 s13, s8  }
.Ltmp1:
0x22: {  	s19 =	simm.s32 @!p1 $0x2;
	(pc) =	sbr.rel @!p2 .LBB1_6-.Ltmp1, $4  }
0x23: {  	s16 =	smov.u32 s10;
	s15 =	smov.u32 s12;
	_ =	swait.ge @!p1 [sflag:s19], $0x4000  }
0x24: {  	p0 =	por !p0, !p0;
	[sflag:s19] =	ssyncset.done @!p1 $0x0;
	s10 =	smov.u32 s17  }
0x25: {  	s18 =	smov.u32 @p3 s2;
	s14 =	smov.u32 s11;
	[sflag:s19] =	ssyncadd.s32 @!p1 $0xFFFFC000  }
0x26: {  	s11 =	smov.u32 s18;
	s13 =	sadd.s32 $0x1, s13;
	s12 =	smov.u32 s20  }
.LBB1_1:
0x27: {  	p1 =	sge.u32 s13, s7;
	s31 =	sadd.s32 $0xFFFFFFFF, s13  }
0x28: {  	s17 =	sxor.u32 @!p1 $0xFFFFFFFF, s13;
	s18 =	sand.u32 @!p1 $0x78, s10;
	s19 =	sshll.u32 @!p1 s11, $0xC  }
0x29: {  	s20 =	sshll.u32 @!p1 s11, $0x7;
	s21 =	sshll.u32 @!p1 s10, $0x3;
	s17 =	sshll.u32 @!p1 s17, $0xE  }
0x2a: {  	s19 =	sand.u32 @!p1 $0xFF8000, s19;
	s20 =	sand.u32 @!p1 $0x380, s20;
	s17 =	sand.u32 @!p1 $0x4000, s17  }
0x2b: {  	s19 =	sadd.s32 @!p1 s19, s21;
	s21 =	sand.u32 @!p1 $0xC00, s21;
	s18 =	sor.u32 @!p1 s20, s18  }
0x2c: {  	s20 =	sshll.u32 @!p1 s12, $0x15;
	s18 =	sor.u32 @!p1 s21, s18;
	s19 =	sshrl.u32 @!p1 s19, $0x3  }
0x2d: {  	s20 =	sadd.s32 @!p1 s3, s20;
	s21 =	sand.u32 @!p1 $0x7, s10;
	s19 =	sand.u32 @!p1 $0x1FFE00, s19  }
0x2e: {  	s18 =	sshrl.u32 @!p1 s18, $0x3;
	s19 =	sadd.s32 @!p1 s19, s20;
	s20 =	sshll.u32 @!p1 s21, $0x12  }
0x2f: {  	s18 =	sadd.s32 @!p1 s18, s19;
	s19 =	sor.u32 @!p1 $0x400, s20;
	s20 =	simm.s32 @!p1 $0x8000  }
0x30: {  	[tilespmem:s17], [sflag:$0x1] =	stream.strided.gather @!p1 [hbm4b:s18+s19], $0x4000, s20, s19, $0x38;
	[tilespmem:$0x10100] =	vst v63  }
0x31: {  	p1 =	sge.u32 s31, s7  }
.Ltmp2:
0x32: {  	_ = 	snop;
	(pc) =	sbr.rel @p1 .LBB1_5-.Ltmp2, $1  }
0x33: {  	_ =	sdelay $0x3  }
0x34: {  	s17 =	simm.s32 $0x1  }
0x35: {  	_ =	swait.ge [sflag:s6], $0x4000;
	s17 =	simm.s32 @!p0 $0x0  }
0x36: {  	[sflag:s6] =	ssyncset.done $0x0;
	s18 =	sshll.u32 s17, $0xE  }
0x37: {  	[sflag:s6] =	ssyncadd.s32 $0xFFFFC000;
	s19 =	sor.u32 $0x40, s18  }
0x38: {  	s17 =	smul.u32 $0x10200, s17;
	v0 =	vld [tilespmem:s19+$0x30]  }
0x39: {  	v3 =	vld [tilespmem:s19+$0xFFFFFFD0]  }
0x3a: {  	s17 =	sshrl.u32 s17, $0x2;
	v4 =	vld [tilespmem:s19+$0xFFFFFFE0]  }
0x3b: {  	v5 =	vld [tilespmem:s19+$0xFFFFFFF0];
	s18 =	sor.u32 $0x8000, s17  }
0x3c: {  	s31 =	sand.u32 $0x1, s13;
	v1 =	vld [tilespmem:s19+$0x0];
	s20 =	sadd.s32 $0x0, s18  }
0x3d: {  	v2 =	vld [tilespmem:s19+$0x10];
	s17 =	smul.u32 $0x10200, s31;
	[tilespmem:s20+$0x3870 ss:$0x81] =	vst.msk $0xffff, v0  }
0x3e: {  	[tilespmem:s20+$0x810 ss:$0x81] =	vst.msk $0xffff, v3;
	v3 =	vld [tilespmem:s19+$0x20]  }
0x3f: {  	s17 =	sshrl.u32 s17, $0x2;
	v0 =	vld [tilespmem:s19+$0xFFFFFFC0];
	[tilespmem:s20+$0x1020 ss:$0x81] =	vst.msk $0xffff, v4;
	s19 =	sadd.s32 $0x80, s19  }
0x40: {  	s21 =	simm.s32 $0x4;
	s22 =	simm.s32 $0x8;
	s17 =	sor.u32 $0x8000, s17;
	[tilespmem:s20+$0x1830 ss:$0x81] =	vst.msk $0xffff, v5;
	v4 =	vld [tilespmem:s19+$0x30]  }
.LBB1_3:
0x41: {  	p1 =	sne.s32 s22, $0x1FC;
	v5 =	vld [tilespmem:s19+$0xFFFFFFD0];
	[tilespmem:s20+$0x2040 ss:$0x81] =	vst.msk $0xffff, v1  }
0x42: {  	v6 =	vld [tilespmem:s19+$0xFFFFFFE0];
	[tilespmem:s20+$0x2850 ss:$0x81] =	vst.msk $0xffff, v2  }
0x43: {  	s23 =	sshra.s32 s21, $0x2;
	s21 =	smov.u32 s22;
	v7 =	vld [tilespmem:s19+$0xFFFFFFF0];
	[tilespmem:s20+$0x3060 ss:$0x81] =	vst.msk $0xffff, v3  }
.Ltmp3:
0x44: {  	v1 =	vld [tilespmem:s19+$0x0];
	[tilespmem:s20+$0x0 ss:$0x81] =	vst.msk $0xffff, v0;
	s20 =	sadd.s32 s23, s18;
	(pc) =	sbr.rel @p1 .LBB1_3-.Ltmp3, $4  }
0x45: {  	v2 =	vld [tilespmem:s19+$0x10];
	[tilespmem:s20+$0x3870 ss:$0x81] =	vst.msk $0xffff, v4  }
0x46: {  	[tilespmem:s20+$0x810 ss:$0x81] =	vst.msk $0xffff, v5;
	v3 =	vld [tilespmem:s19+$0x20]  }
0x47: {  	v0 =	vld [tilespmem:s19+$0xFFFFFFC0];
	[tilespmem:s20+$0x1020 ss:$0x81] =	vst.msk $0xffff, v6;
	s19 =	sadd.s32 $0x80, s19  }
0x48: {  	s22 =	sadd.s32 $0x4, s22;
	v4 =	vld [tilespmem:s19+$0x30];
	[tilespmem:s20+$0x1830 ss:$0x81] =	vst.msk $0xffff, v7  }
.Ltmp4:
0x49: {  	_ = 	snop;
	(pc) =	sbr.rel .LBB1_4-.Ltmp4, $1  }
0x4a: {  	_ =	sdelay $0x3  }
.LBB1_6:
0x4b: {  	_ =	sfence.sel $0x180000  }
0x4c: {  	s2 =	simm.s32 $0x1;
	[bflag:$0x0] =	sbarrier.arrive $0xFFFF  }
0x4d: {  	s31 =	simm.s32 $0x2;
	[sflag:s2] =	ssyncpa.u1 $0x1  }
0x4e: {  	[sflag:s31] =	ssyncpa.u1 $0x1  }
0x4f: {  	p0 =	sne.s32 s0, $0x0;
	_ =	strace $0x9000004A  }
0x50: {  	s0 =	sadd.s32 @!p0 $0x100000, s1;
	[bflag:$0x2] =	sbarrier.arrive $0xFFFF  }
0x51: {  	[sflag:s0] =	ssyncadd.tile.s32 @!p0 $0x1;
	_ =	shalt  }
.Lfunc_end1:
_tile_overlayer_lowered:
.L_overlay_start_2:
0x52: {  	(tag) =	ssettag $0x2  }
0x53: {  	s0 =	rddreg [dreg:$0x0];
	s2 =	stileid.u32  }
0x54: {  	s1 =	rddreg [dreg:$0x1];
	p0 =	sne.s32 s2, $0x0  }
0x55: {  	s3 =	rddreg [dreg:$0x2];
	[bflag:$0x3] =	sbarrier.arrive $0xFFFF;
	s2 =	simm.s32 @!p0 $0x1C01  }
0x56: {  	[timem:s3], [sflag:s2] =	dma.local @!p0 [hbm:s0], s1  }
0x57: {  	s0 =	simm.s32 @!p0 $0x1  }
0x58: {  	_ =	swait.ge @!p0 [sflag:s0], s1  }
0x59: {  	s1 =	ssub.s32 @!p0 $0x0, s1;
	[sflag:s0] =	ssyncset.done @!p0 $0x0  }
0x5a: {  	[sflag:s0] =	ssyncadd.s32 @!p0 s1  }
0x5b: {  	[bflag:$0x3] =	sbarrier.arrive $0xFFFF  }
0x5c: {  	_ =	shalt  }

</sc_bundles>
